<compile_context>
chip_gen: v7x
topology: tpu7x:2x2x1
jax: 0.10.2.dev20260603
libtpu: 0.0.44.dev20260713+nightly
codegen_flags: <defaults>
</compile_context>

<pallas_src>
import dataclasses
import functools

import jax
import jax.numpy as jnp
from jax import lax
from jax.experimental import pallas as pl
from jax.experimental.pallas import tpu as pltpu
from jax.experimental.pallas import tpu_sc as plsc

NC = 2
NS = 16
NW = NC * NS
LANES = 16

SEQ_LEN = 100000
N = 16384 * 128
PER_W = N // NW
CHUNK = 4096
NCHUNK = PER_W // CHUNK
NBUF = 2


def _sc_kernel(idx_hbm, src_hbm, seq_hbm, out_hbm,
               seq_sh, seq_v,
               idx_v0, idx_v1, src_v0, src_v1, out_v0, out_v1,
               in_sems, out_sems, stage_sem):
    cid = lax.axis_index("c")
    sid = lax.axis_index("s")
    wid = sid * NC + cid

    idx_bufs = (idx_v0, idx_v1)
    src_bufs = (src_v0, src_v1)
    out_bufs = (out_v0, out_v1)

    @pl.when(sid == 0)
    def _stage():
        pltpu.async_copy(seq_hbm, seq_sh, stage_sem).wait()

    plsc.subcore_barrier()
    pltpu.async_copy(seq_sh, seq_v, stage_sem).wait()

    base0 = wid * PER_W

    def start_in(ci, b):
        base = base0 + ci * CHUNK
        pltpu.make_async_copy(
            idx_hbm.at[pl.ds(base, CHUNK)], idx_bufs[b], in_sems.at[b]
        ).start()
        pltpu.make_async_copy(
            src_hbm.at[pl.ds(base, CHUNK)], src_bufs[b], in_sems.at[b]
        ).start()

    def wait_in(b):
        pltpu.make_async_copy(
            idx_hbm.at[pl.ds(0, CHUNK)], idx_bufs[b], in_sems.at[b]
        ).wait()
        pltpu.make_async_copy(
            src_hbm.at[pl.ds(0, CHUNK)], src_bufs[b], in_sems.at[b]
        ).wait()

    def start_out(ci, b):
        base = base0 + ci * CHUNK
        pltpu.make_async_copy(
            out_bufs[b], out_hbm.at[pl.ds(base, CHUNK)], out_sems.at[b]
        ).start()

    def wait_out(b):
        pltpu.make_async_copy(
            out_bufs[b], out_hbm.at[pl.ds(0, CHUNK)], out_sems.at[b]
        ).wait()

    def compute(b):
        idx_v, src_v, out_v = idx_bufs[b], src_bufs[b], out_bufs[b]

        @plsc.parallel_loop(0, CHUNK, step=LANES, unroll=8)
        def _vec(o):
            i16 = idx_v[pl.ds(o, LANES)]
            s16 = src_v[pl.ds(o, LANES)]
            v16 = plsc.load_gather(seq_v, [i16])
            out_v[pl.ds(o, LANES)] = jnp.where(s16 > v16, 1.0, 0.0)

    start_in(0, 0)
    start_in(1, 1)

    @pl.loop(0, NCHUNK, step=NBUF)
    def _chunks(ci):
        for b in range(NBUF):
            wait_in(b)

            @pl.when(ci + b >= NBUF)
            def _():
                wait_out(b)

            compute(b)
            start_out(ci + b, b)

            @pl.when(ci + b + NBUF < NCHUNK)
            def _():
                start_in(ci + b + NBUF, b)

    for b in range(NBUF):
        wait_out(b)


@jax.jit
def kernel(rng_idx, source, rng_seq):
    shape = source.shape
    idx = rng_idx.astype(jnp.int32).reshape(-1)
    src = source.reshape(-1)

    cp = pltpu.CompilerParams()
    if "needs_layout_passes" in pltpu.CompilerParams.__dataclass_fields__:
        cp = dataclasses.replace(cp, needs_layout_passes=False)

    mesh = plsc.VectorSubcoreMesh(core_axis_name="c", subcore_axis_name="s")
    run = pl.kernel(
        _sc_kernel,
        out_type=jax.ShapeDtypeStruct((N,), jnp.float32),
        mesh=mesh,
        scratch_types=[
            pltpu.VMEM_SHARED((SEQ_LEN,), jnp.float32),
            pltpu.VMEM((SEQ_LEN,), jnp.float32),
            pltpu.VMEM((CHUNK,), jnp.int32),
            pltpu.VMEM((CHUNK,), jnp.int32),
            pltpu.VMEM((CHUNK,), jnp.float32),
            pltpu.VMEM((CHUNK,), jnp.float32),
            pltpu.VMEM((CHUNK,), jnp.float32),
            pltpu.VMEM((CHUNK,), jnp.float32),
            pltpu.SemaphoreType.DMA((NBUF,)),
            pltpu.SemaphoreType.DMA((NBUF,)),
            pltpu.SemaphoreType.DMA,
        ],
        compiler_params=cp,
    )
    out = run(idx, src, rng_seq)
    return out.reshape(shape)

# --- scband reference (transcript-rebuilt; emitter-appended) ---
"""Pipeline reference for scband-bsgen-54949811585187 (READ-ONLY COPY).

The authoritative reference and input builder live on the scoring server;
editing this copy changes nothing except your own understanding.
"""

import jax, jax.numpy as jnp
import numpy as np


def setup_inputs(seed: int = 0) -> dict:
    key = jax.random.key(seed)
    k1, k2, k3 = jax.random.split(key, 3)
    # 'Learned'/stored buffers from __init__: source data and rng sequence
    source = jax.random.uniform(k1, (16384, 128), dtype=jnp.float32)
    rng_seq = jax.random.uniform(k2, (100000,), dtype=jnp.float32)
    # forward arg: indices into rng_seq, same shape as source for elementwise compare
    rng_idx = jax.random.randint(k3, (16384, 128), 0, 100000).astype(jnp.int64)
    return {"rng_idx": rng_idx, "source": source, "rng_seq": rng_seq}


def reference(rng_idx, source, rng_seq):
    # torch.gt(self.source, self.rng_seq[rng_idx.long()]).type(self.stype)
    gathered = jnp.take(rng_seq, rng_idx, axis=0)
    return (source > gathered).astype(jnp.float32)

if __name__ == "__main__":
    import jax
    _d = setup_inputs()
    print(jax.jit(kernel)(*tuple(_d.values())))

</pallas_src>

<mosaic_0001>
#map = affine_map<(d0, d1) -> (0)>
module attributes {stable_mosaic.version = 14 : i64} {
  func.func @_sc_kernel(%arg0: i32, %arg1: i32, %arg2: memref<2097152xi32, #tpu.memory_space<hbm>>, %arg3: memref<2097152xf32, #tpu.memory_space<hbm>>, %arg4: memref<100000xf32, #tpu.memory_space<hbm>>, %arg5: memref<2097152xf32, #tpu.memory_space<hbm>>, %arg6: memref<100000xf32, #tpu.memory_space<vmem_shared>>, %arg7: memref<100000xf32, #tpu.memory_space<vmem>>, %arg8: memref<4096xi32, #tpu.memory_space<vmem>>, %arg9: memref<4096xi32, #tpu.memory_space<vmem>>, %arg10: memref<4096xf32, #tpu.memory_space<vmem>>, %arg11: memref<4096xf32, #tpu.memory_space<vmem>>, %arg12: memref<4096xf32, #tpu.memory_space<vmem>>, %arg13: memref<4096xf32, #tpu.memory_space<vmem>>, %arg14: memref<2x!tpu.dma_semaphore, #tpu.memory_space<semaphore_mem>>, %arg15: memref<2x!tpu.dma_semaphore, #tpu.memory_space<semaphore_mem>>, %arg16: memref<!tpu.dma_semaphore, #tpu.memory_space<semaphore_mem>>) attributes {dimension_semantics = [#tpu.dimension_semantics<core_parallel>, #tpu.dimension_semantics<subcore_parallel>], iteration_bounds = array<i64: 2, 16>, scalar_prefetch = 0 : i64, scratch_operands = 11 : i64, tpu.core_type = #tpu.core_type<sc_vector_subcore>, window_params = [{transform_indices = #map}, {transform_indices = #map}, {transform_indices = #map}, {transform_indices = #map}]} {
    %mul3A = arith.constant 2 : i32
    %mul3A_0 = arith.muli %arg1, %mul3A : i32
    %add3A = arith.addi %mul3A_0, %arg0 : i32
    %eq3A = arith.constant 0 : i32
    %eq3A_1 = arith.cmpi eq, %arg1, %eq3A : i32
    %convert_element_type3A = arith.extui %eq3A_1 : i1 to i32
    %cond3A = arith.constant 0 : i32
    %cond3A_2 = arith.cmpi ne, %convert_element_type3A, %cond3A : i32
    scf.if %cond3A_2 {
      tpu.enqueue_dma source(%arg4 : memref<100000xf32, #tpu.memory_space<hbm>>) target(%arg6 : memref<100000xf32, #tpu.memory_space<vmem_shared>>) target_semaphore(%arg16 : memref<!tpu.dma_semaphore, #tpu.memory_space<semaphore_mem>>)
      tpu.wait_dma2 semaphore(%arg16 : memref<!tpu.dma_semaphore, #tpu.memory_space<semaphore_mem>>) src(%arg4 : memref<100000xf32, #tpu.memory_space<hbm>>) dst(%arg6 : memref<100000xf32, #tpu.memory_space<vmem_shared>>)
    } else {
    }
    %barrier3A = arith.constant 0 : index
    tpu.barrier barrier_id(%barrier3A)
    tpu.enqueue_dma source(%arg6 : memref<100000xf32, #tpu.memory_space<vmem_shared>>) target(%arg7 : memref<100000xf32, #tpu.memory_space<vmem>>) target_semaphore(%arg16 : memref<!tpu.dma_semaphore, #tpu.memory_space<semaphore_mem>>)
    tpu.wait_dma2 semaphore(%arg16 : memref<!tpu.dma_semaphore, #tpu.memory_space<semaphore_mem>>) src(%arg6 : memref<100000xf32, #tpu.memory_space<vmem_shared>>) dst(%arg7 : memref<100000xf32, #tpu.memory_space<vmem>>)
    %mul3A_3 = arith.constant 65536 : i32
    %mul3A_4 = arith.muli %add3A, %mul3A_3 : i32
    %add3A_5 = arith.constant 0 : i32
    %add3A_6 = arith.addi %mul3A_4, %add3A_5 : i32
    %dma_start3A = arith.constant 0 : i32
    %dma_start3A_7 = tpu.memref_slice %arg2[%add3A_6] : memref<2097152xi32, #tpu.memory_space<hbm>> -> memref<4096xi32, #tpu.memory_space<hbm>>
    %dma_start3A_8 = tpu.memref_slice %arg14[%dma_start3A] : memref<2x!tpu.dma_semaphore, #tpu.memory_space<semaphore_mem>> -> memref<1x!tpu.dma_semaphore, #tpu.memory_space<semaphore_mem>>
    %dma_start3A_9 = tpu.memref_squeeze %dma_start3A_8 : memref<1x!tpu.dma_semaphore, #tpu.memory_space<semaphore_mem>> -> memref<!tpu.dma_semaphore, #tpu.memory_space<semaphore_mem>>
    %dma_start3A_10 = tpu.memref_slice %arg2[%add3A_6] : memref<2097152xi32, #tpu.memory_space<hbm>> -> memref<4096xi32, #tpu.memory_space<hbm>>
    tpu.enqueue_dma source(%dma_start3A_10 : memref<4096xi32, #tpu.memory_space<hbm>>) target(%arg8 : memref<4096xi32, #tpu.memory_space<vmem>>) target_semaphore(%dma_start3A_9 : memref<!tpu.dma_semaphore, #tpu.memory_space<semaphore_mem>>)
    %dma_start3A_11 = arith.constant 0 : i32
    %dma_start3A_12 = tpu.memref_slice %arg3[%add3A_6] : memref<2097152xf32, #tpu.memory_space<hbm>> -> memref<4096xf32, #tpu.memory_space<hbm>>
    %dma_start3A_13 = tpu.memref_slice %arg14[%dma_start3A_11] : memref<2x!tpu.dma_semaphore, #tpu.memory_space<semaphore_mem>> -> memref<1x!tpu.dma_semaphore, #tpu.memory_space<semaphore_mem>>
    %dma_start3A_14 = tpu.memref_squeeze %dma_start3A_13 : memref<1x!tpu.dma_semaphore, #tpu.memory_space<semaphore_mem>> -> memref<!tpu.dma_semaphore, #tpu.memory_space<semaphore_mem>>
    %dma_start3A_15 = tpu.memref_slice %arg3[%add3A_6] : memref<2097152xf32, #tpu.memory_space<hbm>> -> memref<4096xf32, #tpu.memory_space<hbm>>
    tpu.enqueue_dma source(%dma_start3A_15 : memref<4096xf32, #tpu.memory_space<hbm>>) target(%arg10 : memref<4096xf32, #tpu.memory_space<vmem>>) target_semaphore(%dma_start3A_14 : memref<!tpu.dma_semaphore, #tpu.memory_space<semaphore_mem>>)
    %add3A_16 = arith.constant 4096 : i32
    %add3A_17 = arith.addi %mul3A_4, %add3A_16 : i32
    %dma_start3A_18 = arith.constant 1 : i32
    %dma_start3A_19 = tpu.memref_slice %arg2[%add3A_17] : memref<2097152xi32, #tpu.memory_space<hbm>> -> memref<4096xi32, #tpu.memory_space<hbm>>
    %dma_start3A_20 = tpu.memref_slice %arg14[%dma_start3A_18] : memref<2x!tpu.dma_semaphore, #tpu.memory_space<semaphore_mem>> -> memref<1x!tpu.dma_semaphore, #tpu.memory_space<semaphore_mem>>
    %dma_start3A_21 = tpu.memref_squeeze %dma_start3A_20 : memref<1x!tpu.dma_semaphore, #tpu.memory_space<semaphore_mem>> -> memref<!tpu.dma_semaphore, #tpu.memory_space<semaphore_mem>>
    %dma_start3A_22 = tpu.memref_slice %arg2[%add3A_17] : memref<2097152xi32, #tpu.memory_space<hbm>> -> memref<4096xi32, #tpu.memory_space<hbm>>
    tpu.enqueue_dma source(%dma_start3A_22 : memref<4096xi32, #tpu.memory_space<hbm>>) target(%arg9 : memref<4096xi32, #tpu.memory_space<vmem>>) target_semaphore(%dma_start3A_21 : memref<!tpu.dma_semaphore, #tpu.memory_space<semaphore_mem>>)
    %dma_start3A_23 = arith.constant 1 : i32
    %dma_start3A_24 = tpu.memref_slice %arg3[%add3A_17] : memref<2097152xf32, #tpu.memory_space<hbm>> -> memref<4096xf32, #tpu.memory_space<hbm>>
    %dma_start3A_25 = tpu.memref_slice %arg14[%dma_start3A_23] : memref<2x!tpu.dma_semaphore, #tpu.memory_space<semaphore_mem>> -> memref<1x!tpu.dma_semaphore, #tpu.memory_space<semaphore_mem>>
    %dma_start3A_26 = tpu.memref_squeeze %dma_start3A_25 : memref<1x!tpu.dma_semaphore, #tpu.memory_space<semaphore_mem>> -> memref<!tpu.dma_semaphore, #tpu.memory_space<semaphore_mem>>
    %dma_start3A_27 = tpu.memref_slice %arg3[%add3A_17] : memref<2097152xf32, #tpu.memory_space<hbm>> -> memref<4096xf32, #tpu.memory_space<hbm>>
    tpu.enqueue_dma source(%dma_start3A_27 : memref<4096xf32, #tpu.memory_space<hbm>>) target(%arg11 : memref<4096xf32, #tpu.memory_space<vmem>>) target_semaphore(%dma_start3A_26 : memref<!tpu.dma_semaphore, #tpu.memory_space<semaphore_mem>>)
    %scan3A = arith.constant 0 : i32
    %scan3A_28 = arith.constant 8 : i32
    %scan3A_29 = arith.addi %scan3A, %scan3A_28 : i32
    %scan3A_30 = arith.constant 1 : i32
    scf.for %scan3A_45 = %scan3A to %scan3A_29 step %scan3A_30  : i32 {
      %mul3A_46 = arith.constant 2 : i32
      %mul3A_47 = arith.muli %scan3A_45, %mul3A_46 : i32
      %add3A_48 = arith.constant 0 : i32
      %add3A_49 = arith.addi %add3A_48, %mul3A_47 : i32
      %dma_wait3A_50 = arith.constant 0 : i32
      %dma_wait3A_51 = arith.constant 0 : i32
      %dma_wait3A_52 = tpu.memref_slice %arg2[%dma_wait3A_51] : memref<2097152xi32, #tpu.memory_space<hbm>> -> memref<4096xi32, #tpu.memory_space<hbm>>
      %dma_wait3A_53 = tpu.memref_slice %arg14[%dma_wait3A_50] : memref<2x!tpu.dma_semaphore, #tpu.memory_space<semaphore_mem>> -> memref<1x!tpu.dma_semaphore, #tpu.memory_space<semaphore_mem>>
      %dma_wait3A_54 = tpu.memref_squeeze %dma_wait3A_53 : memref<1x!tpu.dma_semaphore, #tpu.memory_space<semaphore_mem>> -> memref<!tpu.dma_semaphore, #tpu.memory_space<semaphore_mem>>
      %dma_wait3A_55 = arith.constant 0 : i32
      %dma_wait3A_56 = tpu.memref_slice %arg2[%dma_wait3A_55] : memref<2097152xi32, #tpu.memory_space<hbm>> -> memref<4096xi32, #tpu.memory_space<hbm>>
      tpu.wait_dma2 semaphore(%dma_wait3A_54 : memref<!tpu.dma_semaphore, #tpu.memory_space<semaphore_mem>>) src(%dma_wait3A_56 : memref<4096xi32, #tpu.memory_space<hbm>>) dst(%arg8 : memref<4096xi32, #tpu.memory_space<vmem>>)
      %dma_wait3A_57 = arith.constant 0 : i32
      %dma_wait3A_58 = arith.constant 0 : i32
      %dma_wait3A_59 = tpu.memref_slice %arg3[%dma_wait3A_58] : memref<2097152xf32, #tpu.memory_space<hbm>> -> memref<4096xf32, #tpu.memory_space<hbm>>
      %dma_wait3A_60 = tpu.memref_slice %arg14[%dma_wait3A_57] : memref<2x!tpu.dma_semaphore, #tpu.memory_space<semaphore_mem>> -> memref<1x!tpu.dma_semaphore, #tpu.memory_space<semaphore_mem>>
      %dma_wait3A_61 = tpu.memref_squeeze %dma_wait3A_60 : memref<1x!tpu.dma_semaphore, #tpu.memory_space<semaphore_mem>> -> memref<!tpu.dma_semaphore, #tpu.memory_space<semaphore_mem>>
      %dma_wait3A_62 = arith.constant 0 : i32
      %dma_wait3A_63 = tpu.memref_slice %arg3[%dma_wait3A_62] : memref<2097152xf32, #tpu.memory_space<hbm>> -> memref<4096xf32, #tpu.memory_space<hbm>>
      tpu.wait_dma2 semaphore(%dma_wait3A_61 : memref<!tpu.dma_semaphore, #tpu.memory_space<semaphore_mem>>) src(%dma_wait3A_63 : memref<4096xf32, #tpu.memory_space<hbm>>) dst(%arg10 : memref<4096xf32, #tpu.memory_space<vmem>>)
      %add3A_64 = arith.constant 0 : i32
      %add3A_65 = arith.addi %add3A_49, %add3A_64 : i32
      %ge3A = arith.constant 2 : i32
      %ge3A_66 = arith.cmpi sge, %add3A_65, %ge3A : i32
      %convert_element_type3A_67 = arith.extui %ge3A_66 : i1 to i32
      %cond3A_68 = arith.constant 0 : i32
      %cond3A_69 = arith.cmpi ne, %convert_element_type3A_67, %cond3A_68 : i32
      scf.if %cond3A_69 {
        %dma_wait3A_133 = arith.constant 0 : i32
        %dma_wait3A_134 = arith.constant 0 : i32
        %dma_wait3A_135 = tpu.memref_slice %arg5[%dma_wait3A_134] : memref<2097152xf32, #tpu.memory_space<hbm>> -> memref<4096xf32, #tpu.memory_space<hbm>>
        %dma_wait3A_136 = tpu.memref_slice %arg15[%dma_wait3A_133] : memref<2x!tpu.dma_semaphore, #tpu.memory_space<semaphore_mem>> -> memref<1x!tpu.dma_semaphore, #tpu.memory_space<semaphore_mem>>
        %dma_wait3A_137 = tpu.memref_squeeze %dma_wait3A_136 : memref<1x!tpu.dma_semaphore, #tpu.memory_space<semaphore_mem>> -> memref<!tpu.dma_semaphore, #tpu.memory_space<semaphore_mem>>
        %dma_wait3A_138 = arith.constant 0 : i32
        %dma_wait3A_139 = tpu.memref_slice %arg5[%dma_wait3A_138] : memref<2097152xf32, #tpu.memory_space<hbm>> -> memref<4096xf32, #tpu.memory_space<hbm>>
        tpu.wait_dma2 semaphore(%dma_wait3A_137 : memref<!tpu.dma_semaphore, #tpu.memory_space<semaphore_mem>>) src(%arg12 : memref<4096xf32, #tpu.memory_space<vmem>>) dst(%dma_wait3A_139 : memref<4096xf32, #tpu.memory_space<hbm>>)
      } else {
      }
      %parallel_loop3A = arith.constant 0 : i32
      %parallel_loop3A_70 = arith.constant 4096 : i32
      %parallel_loop3A_71 = arith.constant 16 : i32
      scf.for %parallel_loop3A_133 = %parallel_loop3A to %parallel_loop3A_70 step %parallel_loop3A_71  : i32 {
        %parallel_loop3A_134 = arith.index_cast %parallel_loop3A_133 : i32 to index
        %parallel_loop3A_135 = tpu.vector_load %arg8[%parallel_loop3A_134] {strides = array<i32>} : memref<4096xi32, #tpu.memory_space<vmem>>, vector<16xi32>,
        %parallel_loop3A_136 = arith.index_cast %parallel_loop3A_133 : i32 to index
        %parallel_loop3A_137 = tpu.vector_load %arg10[%parallel_loop3A_136] {strides = array<i32>} : memref<4096xf32, #tpu.memory_space<vmem>>, vector<16xf32>,
        %parallel_loop3A_138 = tpu.vector_load_idx %arg7[%parallel_loop3A_135] : memref<100000xf32, #tpu.memory_space<vmem>>[vector<16xi32>], vector<16xf32>,
        %parallel_loop3A_139 = arith.cmpf ogt, %parallel_loop3A_137, %parallel_loop3A_138 : vector<16xf32>
        %parallel_loop3A_140 = arith.constant 1.000000e+00 : f32
        %parallel_loop3A_141 = arith.constant 0.000000e+00 : f32
        %parallel_loop3A_142 = vector.broadcast %parallel_loop3A_140 : f32 to vector<16xf32>
        %parallel_loop3A_143 = vector.broadcast %parallel_loop3A_141 : f32 to vector<16xf32>
        %parallel_loop3A_144 = arith.select %parallel_loop3A_139, %parallel_loop3A_142, %parallel_loop3A_143 : vector<16xi1>, vector<16xf32>
        %parallel_loop3A_145 = arith.index_cast %parallel_loop3A_133 : i32 to index
        %parallel_loop3A_146 = tpu.vector_load %arg12[%parallel_loop3A_145] {strides = array<i32>} : memref<4096xf32, #tpu.memory_space<vmem>>, vector<16xf32>,
        tpu.vector_store %arg12[%parallel_loop3A_145], %parallel_loop3A_144 {strides = array<i32>} : memref<4096xf32, #tpu.memory_space<vmem>>, vector<16xf32>,
      } {sc.loop_unroll_factor = 8 : i64, sc.parallel_access}
      %add3A_72 = arith.constant 0 : i32
      %add3A_73 = arith.addi %add3A_49, %add3A_72 : i32
      %mul3A_74 = arith.constant 4096 : i32
      %mul3A_75 = arith.muli %add3A_73, %mul3A_74 : i32
      %add3A_76 = arith.addi %mul3A_4, %mul3A_75 : i32
      %dma_start3A_77 = arith.constant 0 : i32
      %dma_start3A_78 = tpu.memref_slice %arg5[%add3A_76] : memref<2097152xf32, #tpu.memory_space<hbm>> -> memref<4096xf32, #tpu.memory_space<hbm>>
      %dma_start3A_79 = tpu.memref_slice %arg15[%dma_start3A_77] : memref<2x!tpu.dma_semaphore, #tpu.memory_space<semaphore_mem>> -> memref<1x!tpu.dma_semaphore, #tpu.memory_space<semaphore_mem>>
      %dma_start3A_80 = tpu.memref_squeeze %dma_start3A_79 : memref<1x!tpu.dma_semaphore, #tpu.memory_space<semaphore_mem>> -> memref<!tpu.dma_semaphore, #tpu.memory_space<semaphore_mem>>
      %dma_start3A_81 = tpu.memref_slice %arg5[%add3A_76] : memref<2097152xf32, #tpu.memory_space<hbm>> -> memref<4096xf32, #tpu.memory_space<hbm>>
      tpu.enqueue_dma source(%arg12 : memref<4096xf32, #tpu.memory_space<vmem>>) target(%dma_start3A_81 : memref<4096xf32, #tpu.memory_space<hbm>>) target_semaphore(%dma_start3A_80 : memref<!tpu.dma_semaphore, #tpu.memory_space<semaphore_mem>>)
      %add3A_82 = arith.constant 0 : i32
      %add3A_83 = arith.addi %add3A_49, %add3A_82 : i32
      %add3A_84 = arith.constant 2 : i32
      %add3A_85 = arith.addi %add3A_83, %add3A_84 : i32
      %lt3A = arith.constant 16 : i32
      %lt3A_86 = arith.cmpi slt, %add3A_85, %lt3A : i32
      %convert_element_type3A_87 = arith.extui %lt3A_86 : i1 to i32
      %cond3A_88 = arith.constant 0 : i32
      %cond3A_89 = arith.cmpi ne, %convert_element_type3A_87, %cond3A_88 : i32
      scf.if %cond3A_89 {
        %add3A_133 = arith.constant 0 : i32
        %add3A_134 = arith.addi %add3A_49, %add3A_133 : i32
        %add3A_135 = arith.constant 2 : i32
        %add3A_136 = arith.addi %add3A_134, %add3A_135 : i32
        %mul3A_137 = arith.constant 4096 : i32
        %mul3A_138 = arith.muli %add3A_136, %mul3A_137 : i32
        %add3A_139 = arith.addi %mul3A_4, %mul3A_138 : i32
        %dma_start3A_140 = arith.constant 0 : i32
        %dma_start3A_141 = tpu.memref_slice %arg2[%add3A_139] : memref<2097152xi32, #tpu.memory_space<hbm>> -> memref<4096xi32, #tpu.memory_space<hbm>>
        %dma_start3A_142 = tpu.memref_slice %arg14[%dma_start3A_140] : memref<2x!tpu.dma_semaphore, #tpu.memory_space<semaphore_mem>> -> memref<1x!tpu.dma_semaphore, #tpu.memory_space<semaphore_mem>>
        %dma_start3A_143 = tpu.memref_squeeze %dma_start3A_142 : memref<1x!tpu.dma_semaphore, #tpu.memory_space<semaphore_mem>> -> memref<!tpu.dma_semaphore, #tpu.memory_space<semaphore_mem>>
        %dma_start3A_144 = tpu.memref_slice %arg2[%add3A_139] : memref<2097152xi32, #tpu.memory_space<hbm>> -> memref<4096xi32, #tpu.memory_space<hbm>>
        tpu.enqueue_dma source(%dma_start3A_144 : memref<4096xi32, #tpu.memory_space<hbm>>) target(%arg8 : memref<4096xi32, #tpu.memory_space<vmem>>) target_semaphore(%dma_start3A_143 : memref<!tpu.dma_semaphore, #tpu.memory_space<semaphore_mem>>)
        %dma_start3A_145 = arith.constant 0 : i32
        %dma_start3A_146 = tpu.memref_slice %arg3[%add3A_139] : memref<2097152xf32, #tpu.memory_space<hbm>> -> memref<4096xf32, #tpu.memory_space<hbm>>
        %dma_start3A_147 = tpu.memref_slice %arg14[%dma_start3A_145] : memref<2x!tpu.dma_semaphore, #tpu.memory_space<semaphore_mem>> -> memref<1x!tpu.dma_semaphore, #tpu.memory_space<semaphore_mem>>
        %dma_start3A_148 = tpu.memref_squeeze %dma_start3A_147 : memref<1x!tpu.dma_semaphore, #tpu.memory_space<semaphore_mem>> -> memref<!tpu.dma_semaphore, #tpu.memory_space<semaphore_mem>>
        %dma_start3A_149 = tpu.memref_slice %arg3[%add3A_139] : memref<2097152xf32, #tpu.memory_space<hbm>> -> memref<4096xf32, #tpu.memory_space<hbm>>
        tpu.enqueue_dma source(%dma_start3A_149 : memref<4096xf32, #tpu.memory_space<hbm>>) target(%arg10 : memref<4096xf32, #tpu.memory_space<vmem>>) target_semaphore(%dma_start3A_148 : memref<!tpu.dma_semaphore, #tpu.memory_space<semaphore_mem>>)
      } else {
      }
      %dma_wait3A_90 = arith.constant 1 : i32
      %dma_wait3A_91 = arith.constant 0 : i32
      %dma_wait3A_92 = tpu.memref_slice %arg2[%dma_wait3A_91] : memref<2097152xi32, #tpu.memory_space<hbm>> -> memref<4096xi32, #tpu.memory_space<hbm>>
      %dma_wait3A_93 = tpu.memref_slice %arg14[%dma_wait3A_90] : memref<2x!tpu.dma_semaphore, #tpu.memory_space<semaphore_mem>> -> memref<1x!tpu.dma_semaphore, #tpu.memory_space<semaphore_mem>>
      %dma_wait3A_94 = tpu.memref_squeeze %dma_wait3A_93 : memref<1x!tpu.dma_semaphore, #tpu.memory_space<semaphore_mem>> -> memref<!tpu.dma_semaphore, #tpu.memory_space<semaphore_mem>>
      %dma_wait3A_95 = arith.constant 0 : i32
      %dma_wait3A_96 = tpu.memref_slice %arg2[%dma_wait3A_95] : memref<2097152xi32, #tpu.memory_space<hbm>> -> memref<4096xi32, #tpu.memory_space<hbm>>
      tpu.wait_dma2 semaphore(%dma_wait3A_94 : memref<!tpu.dma_semaphore, #tpu.memory_space<semaphore_mem>>) src(%dma_wait3A_96 : memref<4096xi32, #tpu.memory_space<hbm>>) dst(%arg9 : memref<4096xi32, #tpu.memory_space<vmem>>)
      %dma_wait3A_97 = arith.constant 1 : i32
      %dma_wait3A_98 = arith.constant 0 : i32
      %dma_wait3A_99 = tpu.memref_slice %arg3[%dma_wait3A_98] : memref<2097152xf32, #tpu.memory_space<hbm>> -> memref<4096xf32, #tpu.memory_space<hbm>>
      %dma_wait3A_100 = tpu.memref_slice %arg14[%dma_wait3A_97] : memref<2x!tpu.dma_semaphore, #tpu.memory_space<semaphore_mem>> -> memref<1x!tpu.dma_semaphore, #tpu.memory_space<semaphore_mem>>
      %dma_wait3A_101 = tpu.memref_squeeze %dma_wait3A_100 : memref<1x!tpu.dma_semaphore, #tpu.memory_space<semaphore_mem>> -> memref<!tpu.dma_semaphore, #tpu.memory_space<semaphore_mem>>
      %dma_wait3A_102 = arith.constant 0 : i32
      %dma_wait3A_103 = tpu.memref_slice %arg3[%dma_wait3A_102] : memref<2097152xf32, #tpu.memory_space<hbm>> -> memref<4096xf32, #tpu.memory_space<hbm>>
      tpu.wait_dma2 semaphore(%dma_wait3A_101 : memref<!tpu.dma_semaphore, #tpu.memory_space<semaphore_mem>>) src(%dma_wait3A_103 : memref<4096xf32, #tpu.memory_space<hbm>>) dst(%arg11 : memref<4096xf32, #tpu.memory_space<vmem>>)
      %add3A_104 = arith.constant 1 : i32
      %add3A_105 = arith.addi %add3A_49, %add3A_104 : i32
      %ge3A_106 = arith.constant 2 : i32
      %ge3A_107 = arith.cmpi sge, %add3A_105, %ge3A_106 : i32
      %convert_element_type3A_108 = arith.extui %ge3A_107 : i1 to i32
      %cond3A_109 = arith.constant 0 : i32
      %cond3A_110 = arith.cmpi ne, %convert_element_type3A_108, %cond3A_109 : i32
      scf.if %cond3A_110 {
        %dma_wait3A_133 = arith.constant 1 : i32
        %dma_wait3A_134 = arith.constant 0 : i32
        %dma_wait3A_135 = tpu.memref_slice %arg5[%dma_wait3A_134] : memref<2097152xf32, #tpu.memory_space<hbm>> -> memref<4096xf32, #tpu.memory_space<hbm>>
        %dma_wait3A_136 = tpu.memref_slice %arg15[%dma_wait3A_133] : memref<2x!tpu.dma_semaphore, #tpu.memory_space<semaphore_mem>> -> memref<1x!tpu.dma_semaphore, #tpu.memory_space<semaphore_mem>>
        %dma_wait3A_137 = tpu.memref_squeeze %dma_wait3A_136 : memref<1x!tpu.dma_semaphore, #tpu.memory_space<semaphore_mem>> -> memref<!tpu.dma_semaphore, #tpu.memory_space<semaphore_mem>>
        %dma_wait3A_138 = arith.constant 0 : i32
        %dma_wait3A_139 = tpu.memref_slice %arg5[%dma_wait3A_138] : memref<2097152xf32, #tpu.memory_space<hbm>> -> memref<4096xf32, #tpu.memory_space<hbm>>
        tpu.wait_dma2 semaphore(%dma_wait3A_137 : memref<!tpu.dma_semaphore, #tpu.memory_space<semaphore_mem>>) src(%arg13 : memref<4096xf32, #tpu.memory_space<vmem>>) dst(%dma_wait3A_139 : memref<4096xf32, #tpu.memory_space<hbm>>)
      } else {
      }
      %parallel_loop3A_111 = arith.constant 0 : i32
      %parallel_loop3A_112 = arith.constant 4096 : i32
      %parallel_loop3A_113 = arith.constant 16 : i32
      scf.for %parallel_loop3A_133 = %parallel_loop3A_111 to %parallel_loop3A_112 step %parallel_loop3A_113  : i32 {
        %parallel_loop3A_134 = arith.index_cast %parallel_loop3A_133 : i32 to index
        %parallel_loop3A_135 = tpu.vector_load %arg9[%parallel_loop3A_134] {strides = array<i32>} : memref<4096xi32, #tpu.memory_space<vmem>>, vector<16xi32>,
        %parallel_loop3A_136 = arith.index_cast %parallel_loop3A_133 : i32 to index
        %parallel_loop3A_137 = tpu.vector_load %arg11[%parallel_loop3A_136] {strides = array<i32>} : memref<4096xf32, #tpu.memory_space<vmem>>, vector<16xf32>,
        %parallel_loop3A_138 = tpu.vector_load_idx %arg7[%parallel_loop3A_135] : memref<100000xf32, #tpu.memory_space<vmem>>[vector<16xi32>], vector<16xf32>,
        %parallel_loop3A_139 = arith.cmpf ogt, %parallel_loop3A_137, %parallel_loop3A_138 : vector<16xf32>
        %parallel_loop3A_140 = arith.constant 1.000000e+00 : f32
        %parallel_loop3A_141 = arith.constant 0.000000e+00 : f32
        %parallel_loop3A_142 = vector.broadcast %parallel_loop3A_140 : f32 to vector<16xf32>
        %parallel_loop3A_143 = vector.broadcast %parallel_loop3A_141 : f32 to vector<16xf32>
        %parallel_loop3A_144 = arith.select %parallel_loop3A_139, %parallel_loop3A_142, %parallel_loop3A_143 : vector<16xi1>, vector<16xf32>
        %parallel_loop3A_145 = arith.index_cast %parallel_loop3A_133 : i32 to index
        %parallel_loop3A_146 = tpu.vector_load %arg13[%parallel_loop3A_145] {strides = array<i32>} : memref<4096xf32, #tpu.memory_space<vmem>>, vector<16xf32>,
        tpu.vector_store %arg13[%parallel_loop3A_145], %parallel_loop3A_144 {strides = array<i32>} : memref<4096xf32, #tpu.memory_space<vmem>>, vector<16xf32>,
      } {sc.loop_unroll_factor = 8 : i64, sc.parallel_access}
      %add3A_114 = arith.constant 1 : i32
      %add3A_115 = arith.addi %add3A_49, %add3A_114 : i32
      %mul3A_116 = arith.constant 4096 : i32
      %mul3A_117 = arith.muli %add3A_115, %mul3A_116 : i32
      %add3A_118 = arith.addi %mul3A_4, %mul3A_117 : i32
      %dma_start3A_119 = arith.constant 1 : i32
      %dma_start3A_120 = tpu.memref_slice %arg5[%add3A_118] : memref<2097152xf32, #tpu.memory_space<hbm>> -> memref<4096xf32, #tpu.memory_space<hbm>>
      %dma_start3A_121 = tpu.memref_slice %arg15[%dma_start3A_119] : memref<2x!tpu.dma_semaphore, #tpu.memory_space<semaphore_mem>> -> memref<1x!tpu.dma_semaphore, #tpu.memory_space<semaphore_mem>>
      %dma_start3A_122 = tpu.memref_squeeze %dma_start3A_121 : memref<1x!tpu.dma_semaphore, #tpu.memory_space<semaphore_mem>> -> memref<!tpu.dma_semaphore, #tpu.memory_space<semaphore_mem>>
      %dma_start3A_123 = tpu.memref_slice %arg5[%add3A_118] : memref<2097152xf32, #tpu.memory_space<hbm>> -> memref<4096xf32, #tpu.memory_space<hbm>>
      tpu.enqueue_dma source(%arg13 : memref<4096xf32, #tpu.memory_space<vmem>>) target(%dma_start3A_123 : memref<4096xf32, #tpu.memory_space<hbm>>) target_semaphore(%dma_start3A_122 : memref<!tpu.dma_semaphore, #tpu.memory_space<semaphore_mem>>)
      %add3A_124 = arith.constant 1 : i32
      %add3A_125 = arith.addi %add3A_49, %add3A_124 : i32
      %add3A_126 = arith.constant 2 : i32
      %add3A_127 = arith.addi %add3A_125, %add3A_126 : i32
      %lt3A_128 = arith.constant 16 : i32
      %lt3A_129 = arith.cmpi slt, %add3A_127, %lt3A_128 : i32
      %convert_element_type3A_130 = arith.extui %lt3A_129 : i1 to i32
      %cond3A_131 = arith.constant 0 : i32
      %cond3A_132 = arith.cmpi ne, %convert_element_type3A_130, %cond3A_131 : i32
      scf.if %cond3A_132 {
        %add3A_133 = arith.constant 1 : i32
        %add3A_134 = arith.addi %add3A_49, %add3A_133 : i32
        %add3A_135 = arith.constant 2 : i32
        %add3A_136 = arith.addi %add3A_134, %add3A_135 : i32
        %mul3A_137 = arith.constant 4096 : i32
        %mul3A_138 = arith.muli %add3A_136, %mul3A_137 : i32
        %add3A_139 = arith.addi %mul3A_4, %mul3A_138 : i32
        %dma_start3A_140 = arith.constant 1 : i32
        %dma_start3A_141 = tpu.memref_slice %arg2[%add3A_139] : memref<2097152xi32, #tpu.memory_space<hbm>> -> memref<4096xi32, #tpu.memory_space<hbm>>
        %dma_start3A_142 = tpu.memref_slice %arg14[%dma_start3A_140] : memref<2x!tpu.dma_semaphore, #tpu.memory_space<semaphore_mem>> -> memref<1x!tpu.dma_semaphore, #tpu.memory_space<semaphore_mem>>
        %dma_start3A_143 = tpu.memref_squeeze %dma_start3A_142 : memref<1x!tpu.dma_semaphore, #tpu.memory_space<semaphore_mem>> -> memref<!tpu.dma_semaphore, #tpu.memory_space<semaphore_mem>>
        %dma_start3A_144 = tpu.memref_slice %arg2[%add3A_139] : memref<2097152xi32, #tpu.memory_space<hbm>> -> memref<4096xi32, #tpu.memory_space<hbm>>
        tpu.enqueue_dma source(%dma_start3A_144 : memref<4096xi32, #tpu.memory_space<hbm>>) target(%arg9 : memref<4096xi32, #tpu.memory_space<vmem>>) target_semaphore(%dma_start3A_143 : memref<!tpu.dma_semaphore, #tpu.memory_space<semaphore_mem>>)
        %dma_start3A_145 = arith.constant 1 : i32
        %dma_start3A_146 = tpu.memref_slice %arg3[%add3A_139] : memref<2097152xf32, #tpu.memory_space<hbm>> -> memref<4096xf32, #tpu.memory_space<hbm>>
        %dma_start3A_147 = tpu.memref_slice %arg14[%dma_start3A_145] : memref<2x!tpu.dma_semaphore, #tpu.memory_space<semaphore_mem>> -> memref<1x!tpu.dma_semaphore, #tpu.memory_space<semaphore_mem>>
        %dma_start3A_148 = tpu.memref_squeeze %dma_start3A_147 : memref<1x!tpu.dma_semaphore, #tpu.memory_space<semaphore_mem>> -> memref<!tpu.dma_semaphore, #tpu.memory_space<semaphore_mem>>
        %dma_start3A_149 = tpu.memref_slice %arg3[%add3A_139] : memref<2097152xf32, #tpu.memory_space<hbm>> -> memref<4096xf32, #tpu.memory_space<hbm>>
        tpu.enqueue_dma source(%dma_start3A_149 : memref<4096xf32, #tpu.memory_space<hbm>>) target(%arg11 : memref<4096xf32, #tpu.memory_space<vmem>>) target_semaphore(%dma_start3A_148 : memref<!tpu.dma_semaphore, #tpu.memory_space<semaphore_mem>>)
      } else {
      }
    }
    %scan3A_31 = arith.constant 8 : i32
    %dma_wait3A = arith.constant 0 : i32
    %dma_wait3A_32 = arith.constant 0 : i32
    %dma_wait3A_33 = tpu.memref_slice %arg5[%dma_wait3A_32] : memref<2097152xf32, #tpu.memory_space<hbm>> -> memref<4096xf32, #tpu.memory_space<hbm>>
    %dma_wait3A_34 = tpu.memref_slice %arg15[%dma_wait3A] : memref<2x!tpu.dma_semaphore, #tpu.memory_space<semaphore_mem>> -> memref<1x!tpu.dma_semaphore, #tpu.memory_space<semaphore_mem>>
    %dma_wait3A_35 = tpu.memref_squeeze %dma_wait3A_34 : memref<1x!tpu.dma_semaphore, #tpu.memory_space<semaphore_mem>> -> memref<!tpu.dma_semaphore, #tpu.memory_space<semaphore_mem>>
    %dma_wait3A_36 = arith.constant 0 : i32
    %dma_wait3A_37 = tpu.memref_slice %arg5[%dma_wait3A_36] : memref<2097152xf32, #tpu.memory_space<hbm>> -> memref<4096xf32, #tpu.memory_space<hbm>>
    tpu.wait_dma2 semaphore(%dma_wait3A_35 : memref<!tpu.dma_semaphore, #tpu.memory_space<semaphore_mem>>) src(%arg12 : memref<4096xf32, #tpu.memory_space<vmem>>) dst(%dma_wait3A_37 : memref<4096xf32, #tpu.memory_space<hbm>>)
    %dma_wait3A_38 = arith.constant 1 : i32
    %dma_wait3A_39 = arith.constant 0 : i32
    %dma_wait3A_40 = tpu.memref_slice %arg5[%dma_wait3A_39] : memref<2097152xf32, #tpu.memory_space<hbm>> -> memref<4096xf32, #tpu.memory_space<hbm>>
    %dma_wait3A_41 = tpu.memref_slice %arg15[%dma_wait3A_38] : memref<2x!tpu.dma_semaphore, #tpu.memory_space<semaphore_mem>> -> memref<1x!tpu.dma_semaphore, #tpu.memory_space<semaphore_mem>>
    %dma_wait3A_42 = tpu.memref_squeeze %dma_wait3A_41 : memref<1x!tpu.dma_semaphore, #tpu.memory_space<semaphore_mem>> -> memref<!tpu.dma_semaphore, #tpu.memory_space<semaphore_mem>>
    %dma_wait3A_43 = arith.constant 0 : i32
    %dma_wait3A_44 = tpu.memref_slice %arg5[%dma_wait3A_43] : memref<2097152xf32, #tpu.memory_space<hbm>> -> memref<4096xf32, #tpu.memory_space<hbm>>
    tpu.wait_dma2 semaphore(%dma_wait3A_42 : memref<!tpu.dma_semaphore, #tpu.memory_space<semaphore_mem>>) src(%arg13 : memref<4096xf32, #tpu.memory_space<vmem>>) dst(%dma_wait3A_44 : memref<4096xf32, #tpu.memory_space<hbm>>)
    return
  }
}

</mosaic_0001>

<sc_bundles>
// kernel: kernel.3.cloned.1.call-start
scs
__scs_entry_jumppad:
0x0: {  	(pc) =	sbr.rel $0x88, $3  }
0x1: {  	(tag) =	ssettag $0x0;
	lr =	simm.s32 $0x1  }
0x2: {  	[smem:$0x3F9E] =	sst lr;
	_ =	strace $0xD0000000  }
0x3: {  	_ = 	snop  }
0x4: {  	_ = 	snop  }
0x5: {  	_ = 	snop  }
0x6: {  	_ = 	snop  }
0x7: {  	_ = 	snop  }
__scs_overlays_trampoline_lowered:
0x8: {  	[smem:$0x3FAD] =	sst s0  }
0x9: {  	[smem:$0x3FAE] =	sst s1  }
0xa: {  	[smem:$0x3FAF] =	sst s2  }
0xb: {  	[smem:$0x3FB0] =	sst s3  }
0xc: {  	[smem:$0x3FB1] =	sst s4  }
0xd: {  	[smem:$0x3FB2] =	sst s5  }
0xe: {  	[smem:$0x3FB3] =	sst s6  }
0xf: {  	[smem:$0x3FB4] =	sst s7  }
0x10: {  	[smem:$0x3FB5] =	sst s8  }
0x11: {  	[smem:$0x3FB6] =	sst s9;
	s0 =	simm.s32 @!p0 $0x0  }
0x12: {  	s1 =	sld [smem:$0x3F9C];
	s0 =	simm.s32 @p0 $0x1  }
0x13: {  	[smem:$0x3FB7] =	sst s0;
	s0 =	simm.s32 @!p1 $0x0  }
0x14: {  	s2 =	sld [smem:$0x3F9B];
	s0 =	simm.s32 @p1 $0x1  }
0x15: {  	[smem:$0x3FB8] =	sst s0;
	s0 =	simm.s32 @!p2 $0x0  }
0x16: {  	s3 =	sld [smem:$0x3FDB];
	s0 =	simm.s32 @p2 $0x1  }
0x17: {  	s4 =	simm.s32 $0x1BF5;
	[smem:$0x3FBA] =	sst s0  }
0x18: {  	s0 =	sld [smem:$0x3F9D];
	_ =	swait.ge [sflag:s4], $0x0  }
0x19: {  	s7 =	sld [smem:$0x3F9E]  }
0x1a: {  	s8 =	sadd.s32 $0xFFFFE003, lr  }
0x1b: {  	s9 =	sadd.s32 $0xFFFFFEF7, lr;
	s5 =	simm.s32 $0xFFFFFFFF;
	p2 =	slt.u32 s8, $0xFFFFF086  }
0x1c: {  	p1 =	slt.u32 s9, $0xF7A;
	s5 =	simm.s32 @!p2 $0x0  }
0x1d: {  	s5 =	simm.s32 @p1 $0x1;
	p0 =	seq.s32 s7, s2  }
0x1e: {  	s7 =	smul.u32 @!p0 $0xF7A, s2;
	p2 =	seq.s32 @!p0 s5, $0x0  }
0x1f: {  	s9 =	smul.u32 $0xF7A, s1;
	s8 =	simm.s32 @!p0 $0x1BF5;
	p2 =	por !p2, p0  }
0x20: {  	[sflag:s8] =	ssyncset.s32 @!p0 $0xFFFFF086;
	s6 =	sadd.s32 @!p0 s3, s7;
	s7 =	simm.s32 @!p0 $0x108  }
0x21: {  	s3 =	sadd.s32 s3, s9;
	s6 =	sadd.s32 @!p0 $0x88, s6;
	s7 =	simm.s32 @p2 $0x1082  }
0x22: {  	[simem:s7], [sflag:s8] =	dma.local @!p0 [hbm:s6], $0xF7A  }
0x23: {  	s9 =	sor.u32 $0xD0000000, s2;
	s6 =	simm.s32 $0x108;
	_ =	swait.ge @!p0 [sflag:s8], $0x0  }
0x24: {  	s3 =	sadd.s32 $0x88, s3;
	s6 =	simm.s32 @!p1 $0x1082;
	[sflag:s4] =	ssyncset.s32 $0xFFFFF086  }
0x25: {  	[simem:s6], [sflag:s4] =	dma.local [hbm:s3], $0xF7A  }
0x26: {  	[smem:$0x3F9E] =	sst s1;
	(tag) =	ssettag s2;
	_ =	strace s9  }
0x27: {  	s1 =	sld [smem:$0x3FAE]  }
0x28: {  	s2 =	sld [smem:$0x3FAF]  }
0x29: {  	s4 =	sld [smem:$0x3FB1]  }
0x2a: {  	p0 =	seq.s32 s5, $0x0;
	s5 =	sld [smem:$0x3FB2]  }
0x2b: {  	s6 =	sld [smem:$0x3FB3]  }
0x2c: {  	s7 =	sld [smem:$0x3FB4]  }
0x2d: {  	s3 =	simm.s32 $0x108;
	s8 =	sld [smem:$0x3FB5]  }
0x2e: {  	s3 =	simm.s32 @!p0 $0x1082;
	s9 =	sld [smem:$0x3FB6]  }
0x2f: {  	lr =	sadd.s32 s0, s3;
	s0 =	sld [smem:$0x3FAD]  }
0x30: {  	s3 =	sld [smem:$0x3FB0]  }
0x31: {  	[smem:$0x3FB9] =	sst s10  }
0x32: {  	s10 =	sld [smem:$0x3FB7];
	_ =	sdelay $0x3  }
0x33: {  	p0 =	seq.s32 s10, $0x1;
	s10 =	sld [smem:$0x3FB9];
	_ =	sdelay $0x3  }
0x34: {  	[smem:$0x3FB9] =	sst s10  }
0x35: {  	s10 =	sld [smem:$0x3FB8];
	_ =	sdelay $0x3  }
0x36: {  	p1 =	seq.s32 s10, $0x1;
	s10 =	sld [smem:$0x3FB9];
	_ =	sdelay $0x3  }
0x37: {  	[smem:$0x3FB9] =	sst s10  }
0x38: {  	s10 =	sld [smem:$0x3FBA]  }
0x39: {  	_ = 	snop;
	(pc) =	sbr.ind lr, $3  }
0x3a: {  	_ = 	snop  }
0x3b: {  	_ = 	snop  }
0x3c: {  	p2 =	seq.s32 s10, $0x1;
	s10 =	sld [smem:$0x3FB9]  }
0x3d: {  	_ =	shalt  }
0x3e: {  	_ =	shalt  }
0x3f: {  	_ =	shalt  }
0x40: {  	_ =	shalt  }
0x41: {  	_ =	shalt  }
0x42: {  	_ =	shalt  }
0x43: {  	_ =	shalt  }
0x44: {  	_ =	shalt  }
0x45: {  	_ =	shalt  }
0x46: {  	_ =	shalt  }
0x47: {  	_ =	shalt  }
0x48: {  	_ =	shalt  }
0x49: {  	_ =	shalt  }
0x4a: {  	_ =	shalt  }
0x4b: {  	_ =	shalt  }
0x4c: {  	_ =	shalt  }
0x4d: {  	_ =	shalt  }
0x4e: {  	_ =	shalt  }
0x4f: {  	_ =	shalt  }
0x50: {  	_ =	shalt  }
0x51: {  	_ =	shalt  }
0x52: {  	_ =	shalt  }
0x53: {  	_ =	shalt  }
0x54: {  	_ =	shalt  }
0x55: {  	_ =	shalt  }
0x56: {  	_ =	shalt  }
0x57: {  	_ =	shalt  }
0x58: {  	_ =	shalt  }
0x59: {  	_ =	shalt  }
0x5a: {  	_ =	shalt  }
0x5b: {  	_ =	shalt  }
0x5c: {  	_ =	shalt  }
0x5d: {  	_ =	shalt  }
0x5e: {  	_ =	shalt  }
0x5f: {  	_ =	shalt  }
0x60: {  	_ =	shalt  }
0x61: {  	_ =	shalt  }
0x62: {  	_ =	shalt  }
0x63: {  	_ =	shalt  }
0x64: {  	_ =	shalt  }
0x65: {  	_ =	shalt  }
0x66: {  	_ =	shalt  }
0x67: {  	_ =	shalt  }
0x68: {  	_ =	shalt  }
0x69: {  	_ =	shalt  }
0x6a: {  	_ =	shalt  }
0x6b: {  	_ =	shalt  }
0x6c: {  	_ =	shalt  }
0x6d: {  	_ =	shalt  }
0x6e: {  	_ =	shalt  }
0x6f: {  	_ =	shalt  }
0x70: {  	_ =	shalt  }
0x71: {  	_ =	shalt  }
0x72: {  	_ =	shalt  }
0x73: {  	_ =	shalt  }
0x74: {  	_ =	shalt  }
0x75: {  	_ =	shalt  }
0x76: {  	_ =	shalt  }
0x77: {  	_ =	shalt  }
0x78: {  	_ =	shalt  }
0x79: {  	_ =	shalt  }
0x7a: {  	_ =	shalt  }
0x7b: {  	_ =	shalt  }
0x7c: {  	_ =	shalt  }
0x7d: {  	_ =	shalt  }
0x7e: {  	_ =	shalt  }
0x7f: {  	_ =	shalt  }
0x80: {  	_ =	shalt  }
0x81: {  	_ =	shalt  }
0x82: {  	_ =	shalt  }
0x83: {  	_ =	shalt  }
0x84: {  	_ =	shalt  }
0x85: {  	_ =	shalt  }
0x86: {  	_ =	shalt  }
0x87: {  	_ =	shalt  }
.Lfunc_end0:
.L_simem_size_0:
called_computation_lowered:
.L_overlay_start_0:
0x88: {  	s2 =	sld [smem:$0x3FD9]  }
0x89: {  	s3 =	sld [smem:$0x3FFE];
	_ =	sdelay $0x1  }
0x8a: {  	s1 =	srdreg.scid  }
0x8b: {  	s0 =	sand.u32 $0x1, s1  }
0x8c: {  	s18 =	sshll.u32 s0, $0xA;
	s2 =	sadd.s32 s3, s2  }
0x8d: {  	s2 =	sadd.s32 s2, s18  }
0x8e: {  	[smem:$0x3FC5] =	sst s2  }
0x8f: {  	_ = 	snop  }
0x90: {  	s2 =	sld [smem:$0x3FC9]  }
0x91: {  	s19 =	sld [smem:$0x3FC8]  }
0x92: {  	s4 =	sld [smem:$0x3FC7]  }
0x93: {  	s5 =	sld [smem:$0x3FD0];
	(tm) =	ssettm $0x1  }
0x94: {  	s6 =	sld [smem:$0x3FFB];
	_ =	sdelay $0x3  }
0x95: {  	_ =	strace s6  }
0x96: {  	s6 =	sld [smem:$0x3FFC];
	_ =	sdelay $0x3  }
0x97: {  	_ =	strace s6  }
0x98: {  	s6 =	sld [smem:$0x3FFD];
	_ =	sdelay $0x3  }
0x99: {  	_ =	strace s6  }
0x9a: {  	_ =	strace $0x8FFFFFFF  }
0x9b: {  	s20 =	sld [smem:$0x3FDB];
	_ =	sdelay $0x1  }
0x9c: {  	s7 =	simm.s32 $_scs_section_size  }
0x9d: {  	s8 =	simm.s32 $_size__tile_overlayer_lowered;
	s9 =	simm.s32 $_tile_overlayer_lowered  }
0x9e: {  	s23 =	simm.s32 $0x1BFF;
	s22 =	sshll.u32 s9, $0x1;
	s6 =	sadd.s32 s7, s20  }
0x9f: {  	s10 =	simm.s32 $0x0;
	s21 =	sshll.u32 s8, $0x1;
	s8 =	sadd.s32 s22, s6  }
0xa0: {  	[timem:s10], [sflag:s23] =	dma.local [hbm:s8], s21  }
0xa1: {  	_ =	swait.ge [sflag:s23], s21  }
0xa2: {  	s7 =	ssub.s32 $0x0, s21;
	[sflag:s23] =	ssyncset.done $0x0  }
0xa3: {  	[sflag:s23] =	ssyncadd.s32 s7;
	_ =	sdelay $0x1  }
0xa4: {  	s24 =	simm.s32 $0x1B8B  }
0xa5: {  	_ =	swait.ge [sflag:s24], $0x1  }
0xa6: {  	[sflag:s24] =	ssyncset.done $0x0  }
0xa7: {  	s25 =	simm.s32 $0x1B8E;
	[sflag:s24] =	ssyncadd.s32 $0xFFFFFFFF  }
0xa8: {  	s26 =	simm.s32 $execute0_lowered;
	[smem:$0x3FD2] =	sst s25  }
0xa9: {  	s7 =	sshll.u32 s26, $0x1;
	_ =	strace $0x80000046;
	[dreg:$0x1] =	wrdreg $0xFFFFFFFF  }
0xaa: {  	s28 =	simm.s32 $_size_execute0_lowered;
	s6 =	sadd.s32 s6, s7;
	[dreg:$0x0] =	wrdreg $0x0  }
0xab: {  	s7 =	sshll.u32 s28, $0x1;
	[dreg:$0x2] =	wrdreg s6  }
0xac: {  	[dreg:$0x3] =	wrdreg s7  }
0xad: {  	[dreg:$0x4] =	wrdreg $0xC0  }
0xae: {  	_ =	task [dreg:s10], $0x5FFFF  }
0xaf: {  	[dreg:$0x1] =	wrdreg $0xFFFFFFFF  }
0xb0: {  	[dreg:$0x0] =	wrdreg $0x60  }
0xb1: {  	[dreg:$0x2] =	wrdreg s2  }
0xb2: {  	[dreg:$0x3] =	wrdreg s19  }
0xb3: {  	[dreg:$0x4] =	wrdreg s4  }
0xb4: {  	[dreg:$0x5] =	wrdreg s5  }
0xb5: {  	[dreg:$0x6] =	wrdreg $0x0  }
0xb6: {  	[dreg:$0x7] =	wrdreg $0x9  }
0xb7: {  	_ =	task.clear_ibuf [dreg:s10], $0x8FFFF;
	_ =	strace $0x90000046  }
0xb8: {  	s29 =	simm.s32 $0x9;
	_ =	strace $0x80000048  }
0xb9: {  	_ =	swait.ge [sflag:s29], $0x1  }
0xba: {  	[sflag:s29] =	ssyncadd.s32 $0xFFFFFFFF  }
0xbb: {  	_ =	strace $0x90000048  }
0xbc: {  	_ =	sfence  }
0xbd: {  	s30 =	sld [smem:$0x0];
	_ =	sdelay $0x2  }
0xbe: {  	s31 =	sshll.u32 s1, $0xD;
	s1 =	sshrl.u32 s1, $0x2  }
0xbf: {  	s3 =	sand.u32 $0x4000, s31;
	s1 =	sadd.s32 s1, s30  }
0xc0: {  	s0 =	sor.u32 s3, s0;
	s1 =	sshll.u32 s1, $0x11  }
0xc1: {  	s0 =	sor.u32 s1, s0  }
0xc2: {  	s0 =	sadd.s32 $0x8F2B, s0  }
0xc3: {  	[sflag:s0] =	ssyncadd.remote.s32 $0x1  }
0xc4: {  	_ =	sfence.sel $0xFFFF  }
0xc5: {  	[dreg:$0x0] =	wrdreg $0xFFFFFFFF;
	(pc) =	sbr.abs _section_cstart, $3  }
0xc6: {  	[dreg:$0x1] =	wrdreg $0xFFFFFFFF  }
0xc7: {  	_ =	task.clear_ibuf [dreg:s10], $0x2FFFF;
	_ =	strace $0x9FFFFFFF  }
0xc8: {  	(tm) =	ssettm $0x7FFFFFFF  }
0xc9: {  	_ =	shalt  }
tec
execute0_lowered:
.L_overlay_start_1:
0x0: {  	(tag) =	ssettag $0x1  }
0x1: {  	s0 =	rddreg [dreg:$0x0]  }
0x2: {  	s2 =	rddreg [dreg:$0x1]  }
0x3: {  	s4 =	rddreg [dreg:$0x3]  }
0x4: {  	s15 =	rddreg [dreg:$0x4]  }
0x5: {  	s1 =	srdreg.scid;
	s3 =	stileid.u32  }
0x6: {  	s6 =	simm.s32 $0x0;
	s16 =	simm.s32 $0x1870;
	s17 =	simm.s32 $0x5  }
0x7: {  	s20 =	simm.s32 $0x1AF70;
	s21 =	simm.s32 $0x1CF70;
	s22 =	simm.s32 $0x1  }
0x8: {  	s23 =	simm.s32 $0x1DF70;
	s24 =	simm.s32 $0x2;
	s25 =	simm.s32 $0x1EF70  }
0x9: {  	s26 =	simm.s32 $0x3;
	s28 =	simm.s32 $0x4;
	s29 =	simm.s32 $0x0  }
0xa: {  	s1 =	sand.u32 $0x1, s1;
	s5 =	sshll.u32 s3, $0x11;
	[smem:$0x7FF] =	sst s6  }
0xb: {  	p0 =	sne.s32 s3, $0x0;
	s7 =	sshll.u32 s1, $0x10;
	s1 =	ssub.s32 $0x2, s1  }
.Ltmp0:
0xc: {  	_ =	strace $0x80000047;
	s7 =	sor.u32 s7, s5;
	(pc) =	sbr.rel .LBB2_1-.Ltmp0, $4  }
0xd: {  	s15 =	sshrl.u32 @!p0 s15, $0x3;
	s30 =	sshrl.u32 s1, $0x1;
	s9 =	sshrl.u32 s7, $0x3  }
0xe: {  	s1 =	ssub.s32 s1, s30;
	s12 =	sor.u32 $0x2000, s7;
	s13 =	sor.u32 $0x3000, s7  }
0xf: {  	s8 =	sadd.s32 s0, s9;
	s31 =	sor.u32 $0x200, s9;
	s9 =	sadd.s32 s2, s9  }
0x10: {  	v0 =	vimm.f32 $0.0e+00;
	s14 =	smax.u32 s1, $0x1;
	s10 =	sadd.s32 s0, s31;
	s11 =	sadd.s32 s2, s31  }
.LBB2_8:
0x11: {  	s29 =	sadd.s32 $0x1, s29  }
0x12: {  	_ =	swait.ge [sflag:s26], $0x1000;
	p1 =	sne.s32 s29, s14  }
.Ltmp1:
0x13: {  	[sflag:s26] =	ssyncset.done $0x0;
	(pc) =	sbr.rel @!p1 .LBB2_9-.Ltmp1, $4  }
0x14: {  	[sflag:s26] =	ssyncadd.s32 $0xFFFFF000  }
0x15: {  	_ =	swait.ge [sflag:s28], $0x1000  }
0x16: {  	[sflag:s28] =	ssyncset.done $0x0  }
0x17: {  	[sflag:s28] =	ssyncadd.s32 $0xFFFFF000  }
.LBB2_1:
0x18: {  	s1 =	simm.s32 @!p0 $0x1C05;
	s3 =	rddreg [dreg:$0x2]  }
0x19: {  	[spmem:s15], [sflag:s1] =	dma.local @!p0 [hbm:s3], $0x30E0  }
0x1a: {  	s1 =	simm.s32 @!p0 $0x5  }
0x1b: {  	_ =	swait.ge @!p0 [sflag:s1], $0x30E0  }
0x1c: {  	[sflag:s1] =	ssyncset.done @!p0 $0x0  }
0x1d: {  	[sflag:s1] =	ssyncadd.s32 @!p0 $0xFFFFCF20  }
0x1e: {  	[bflag:$0x0] =	sbarrier.arrive $0xFFFF  }
0x1f: {  	s18 =	rddreg [dreg:$0x4]  }
0x20: {  	[tilespmem:s16], [sflag:$0x5] =	stream.linear.gather [spmem:s18], $0x18700, $0x38;
	[tilespmem:$0x1FF70] =	vst v63  }
0x21: {  	_ =	swait.ge [sflag:s17], $0x18700  }
0x22: {  	[sflag:s17] =	ssyncset.done $0x0  }
0x23: {  	s19 =	simm.s32 $0x19F70;
	[sflag:s17] =	ssyncadd.s32 $0xFFFE7900  }
0x24: {  	[tilespmem:s19], [sflag:$0x1] =	stream.linear.gather [hbm4b:s8+s6], $0x1000, $0x38;
	[tilespmem:$0x1FF70] =	vst v63  }
0x25: {  	s31 =	simm.s32 $0x1BF70  }
0x26: {  	[tilespmem:s31], [sflag:$0x1] =	stream.linear.gather [hbm4b:s9+s6], $0x1000, $0x38;
	[tilespmem:$0x1FF70] =	vst v63  }
0x27: {  	_ = 	snop  }
0x28: {  	[tilespmem:s20], [sflag:$0x2] =	stream.linear.gather [hbm4b:s10+s6], $0x1000, $0x38;
	[tilespmem:$0x1FF70] =	vst v63  }
0x29: {  	s30 =	simm.s32 $0x0  }
0x2a: {  	[tilespmem:s21], [sflag:$0x2] =	stream.linear.gather [hbm4b:s11+s6], $0x1000, $0x38;
	[tilespmem:$0x1FF70] =	vst v63  }
.LBB2_2:
0x2b: {  	_ =	swait.ge [sflag:s22], $0x1000  }
0x2c: {  	[sflag:s22] =	ssyncset.done $0x0  }
0x2d: {  	[sflag:s22] =	ssyncadd.s32 $0xFFFFF000  }
0x2e: {  	_ =	swait.ge [sflag:s22], $0x1000  }
0x2f: {  	p1 =	seq.s32 s30, $0x0;
	[sflag:s22] =	ssyncset.done $0x0  }
0x30: {  	s1 =	simm.s32 @!p1 $0x3;
	[sflag:s22] =	ssyncadd.s32 $0xFFFFF000  }
0x31: {  	_ =	swait.ge @!p1 [sflag:s1], $0x1000  }
0x32: {  	[sflag:s1] =	ssyncset.done @!p1 $0x0  }
0x33: {  	s19 =	simm.s32 $0x19FB0;
	[sflag:s1] =	ssyncadd.s32 @!p1 $0xFFFFF000  }
0x34: {  	v1 =	vld [tilespmem:s19+$0x30]  }
0x35: {  	v2 =	vld [tilespmem:s19+$0xFFFFFFD0]  }
0x36: {  	v3 =	vld [tilespmem:s19+$0xFFFFFFE0]  }
0x37: {  	v4 =	vld [tilespmem:s19+$0xFFFFFFF0]  }
0x38: {  	v6 =	vld [tilespmem:s19+$0x0]  }
0x39: {  	v7 =	vld [tilespmem:s19+$0x10]  }
0x3a: {  	v8 =	vld [tilespmem:s19+$0x20]  }
0x3b: {  	s1 =	simm.s32 $0x1BFB0;
	v9 =	vld [tilespmem:s19+$0xFFFFFFC0]  }
0x3c: {  	v12 =	vld [tilespmem:s1+$0x30]  }
0x3d: {  	v14 =	vld [tilespmem:s1+$0xFFFFFFD0]  }
0x3e: {  	v10 =	vld [tilespmem:s1+$0xFFFFFFE0]  }
0x3f: {  	v11 =	vld.idx.msk [tilespmem:v1+s16+$0x0], $0xffff  }
0x40: {  	v13 =	vld.idx.msk [tilespmem:v2+s16+$0x0], $0xffff  }
0x41: {  	v5 =	vld.idx.msk [tilespmem:v3+s16+$0x0], $0xffff  }
0x42: {  	v3 =	vld.idx.msk [tilespmem:v6+s16+$0x0], $0xffff  }
0x43: {  	v6 =	vld.idx.msk [tilespmem:v9+s16+$0x0], $0xffff  }
0x44: {  	v2 =	vld.idx.msk [tilespmem:v8+s16+$0x0], $0xffff  }
0x45: {  	v8 =	vld [tilespmem:s1+$0xFFFFFFC0]  }
0x46: {  	v4 =	vld.idx.msk [tilespmem:v4+s16+$0x0], $0xffff  }
0x47: {  	v1 =	vld.idx.msk [tilespmem:v7+s16+$0x0], $0xffff  }
0x48: {  	v9 =	vld [tilespmem:s1+$0xFFFFFFF0]  }
0x49: {  	v7 =	vld [tilespmem:s1+$0x0];
	vm0 =	vgt.f32 v12, v11  }
0x4a: {  	s3 =	simm.s32 $0x1DFB0;
	v11 =	vsel vm0, $0x3F800000, v0;
	vm0 =	vgt.f32 v8, v6;
	v6 =	vld [tilespmem:s1+$0x10]  }
0x4b: {  	s31 =	sshll.u32 s30, $0xD;
	s5 =	simm.s32 $0x0;
	s18 =	simm.s32 $0x1A030;
	v8 =	vld [tilespmem:s1+$0x20];
	[tilespmem:s3+$0x30] =	vst v11;
	v11 =	vsel vm0, $0x3F800000, v0;
	vm0 =	vgt.f32 v14, v13  }
.LBB2_3:
0x4c: {  	v12 =	vld [tilespmem:s18+$0x30];
	s5 =	sadd.s32 $0x80, s5;
	[tilespmem:s3+$0xFFFFFFC0] =	vst v11;
	v11 =	vsel vm0, $0x3F800000, v0;
	vm0 =	vgt.f32 v10, v5  }
0x4d: {  	v5 =	vld [tilespmem:s18+$0xFFFFFFD0];
	p2 =	slt.u32 s5, $0xF80;
	[tilespmem:s3+$0xFFFFFFD0] =	vst v11;
	v10 =	vsel vm0, $0x3F800000, v0;
	vm0 =	vgt.f32 v9, v4  }
0x4e: {  	v4 =	vld [tilespmem:s18+$0xFFFFFFE0];
	[tilespmem:s3+$0xFFFFFFE0] =	vst v10;
	v9 =	vsel vm0, $0x3F800000, v0;
	vm0 =	vgt.f32 v7, v3  }
0x4f: {  	v3 =	vld [tilespmem:s18+$0xFFFFFFF0];
	[tilespmem:s3+$0xFFFFFFF0] =	vst v9;
	v7 =	vsel vm0, $0x3F800000, v0;
	vm0 =	vgt.f32 v6, v1  }
0x50: {  	v1 =	vld [tilespmem:s18+$0x0];
	[tilespmem:s3+$0x0] =	vst v7;
	v6 =	vsel vm0, $0x3F800000, v0;
	vm0 =	vgt.f32 v8, v2  }
0x51: {  	v2 =	vld [tilespmem:s18+$0x10];
	[tilespmem:s3+$0x10] =	vst v6;
	v6 =	vsel vm0, $0x3F800000, v0  }
0x52: {  	v7 =	vld [tilespmem:s18+$0x20];
	[tilespmem:s3+$0x20] =	vst v6  }
0x53: {  	v6 =	vld [tilespmem:s18+$0xFFFFFFC0]  }
0x54: {  	s1 =	sadd.s32 $0x80, s1;
	v8 =	vld.idx.msk [tilespmem:v12+s16+$0x0], $0xffff  }
0x55: {  	v9 =	vld [tilespmem:s1+$0x30]  }
0x56: {  	v12 =	vld.idx.msk [tilespmem:v5+s16+$0x0], $0xffff  }
0x57: {  	v5 =	vld.idx.msk [tilespmem:v4+s16+$0x0], $0xffff  }
0x58: {  	v4 =	vld.idx.msk [tilespmem:v3+s16+$0x0], $0xffff  }
0x59: {  	v3 =	vld.idx.msk [tilespmem:v1+s16+$0x0], $0xffff  }
0x5a: {  	v1 =	vld.idx.msk [tilespmem:v2+s16+$0x0], $0xffff;
	vm0 =	vgt.f32 v9, v8  }
0x5b: {  	s3 =	sadd.s32 $0x80, s3;
	v6 =	vld.idx.msk [tilespmem:v6+s16+$0x0], $0xffff;
	v8 =	vsel vm0, $0x3F800000, v0  }
0x5c: {  	v2 =	vld.idx.msk [tilespmem:v7+s16+$0x0], $0xffff;
	[tilespmem:s3+$0x30] =	vst v8  }
0x5d: {  	v8 =	vld [tilespmem:s1+$0xFFFFFFC0]  }
0x5e: {  	v13 =	vld [tilespmem:s1+$0xFFFFFFD0]  }
.Ltmp2:
0x5f: {  	v10 =	vld [tilespmem:s1+$0xFFFFFFE0];
	(pc) =	sbr.rel @p2 .LBB2_3-.Ltmp2, $4  }
0x60: {  	v9 =	vld [tilespmem:s1+$0xFFFFFFF0]  }
0x61: {  	v7 =	vld [tilespmem:s1+$0x0]  }
0x62: {  	vm0 =	vgt.f32 v8, v6;
	v6 =	vld [tilespmem:s1+$0x10]  }
0x63: {  	s18 =	sadd.s32 $0x80, s18;
	v11 =	vsel vm0, $0x3F800000, v0;
	vm0 =	vgt.f32 v13, v12;
	v8 =	vld [tilespmem:s1+$0x20]  }
0x64: {  	[tilespmem:s3+$0xFFFFFFC0] =	vst v11;
	v11 =	vsel vm0, $0x3F800000, v0;
	vm0 =	vgt.f32 v10, v5  }
0x65: {  	[tilespmem:s3+$0xFFFFFFD0] =	vst v11;
	v5 =	vsel vm0, $0x3F800000, v0;
	vm0 =	vgt.f32 v9, v4  }
0x66: {  	[tilespmem:s3+$0xFFFFFFE0] =	vst v5;
	v4 =	vsel vm0, $0x3F800000, v0;
	vm0 =	vgt.f32 v7, v3  }
0x67: {  	[tilespmem:s3+$0xFFFFFFF0] =	vst v4;
	v3 =	vsel vm0, $0x3F800000, v0;
	vm0 =	vgt.f32 v6, v1  }
0x68: {  	s1 =	sor.u32 s7, s31;
	[tilespmem:s3+$0x0] =	vst v3;
	v1 =	vsel vm0, $0x3F800000, v0;
	vm0 =	vgt.f32 v8, v2  }
0x69: {  	p2 =	seq.s32 s30, $0x7;
	s1 =	sshrl.u32 s1, $0x3;
	[tilespmem:s3+$0x10] =	vst v1;
	v1 =	vsel vm0, $0x3F800000, v0  }
0x6a: {  	s18 =	sadd.s32 s4, s1;
	[tilespmem:s3+$0x20] =	vst v1;
	s3 =	sadd.s32 @!p2 s31, s12  }
0x6b: {  	[hbm4b:s18+s6] =	stream.linear.scatter [tilespmem:s23], [sflag:$0x3], $0x1000, $0x38;
	[tilespmem:$0x1FF70] =	vst v63  }
0x6c: {  	s3 =	sshrl.u32 @!p2 s3, $0x3  }
0x6d: {  	s19 =	simm.s32 @!p2 $0x19F70;
	s18 =	simm.s32 @!p2 $0x0;
	s5 =	sadd.s32 @!p2 s0, s3  }
0x6e: {  	[tilespmem:s19], [sflag:$0x1] =	stream.linear.gather @!p2 [hbm4b:s5+s18], $0x1000, $0x38;
	[tilespmem:$0x1FF70] =	vst v63  }
0x6f: {  	s3 =	sadd.s32 @!p2 s2, s3;
	s5 =	simm.s32 @!p2 $0x1BF70  }
0x70: {  	[tilespmem:s5], [sflag:$0x1] =	stream.linear.gather @!p2 [hbm4b:s3+s18], $0x1000, $0x38;
	[tilespmem:$0x1FF70] =	vst v63  }
0x71: {  	_ =	swait.ge [sflag:s24], $0x1000  }
0x72: {  	[sflag:s24] =	ssyncset.done $0x0  }
0x73: {  	[sflag:s24] =	ssyncadd.s32 $0xFFFFF000  }
0x74: {  	_ =	swait.ge [sflag:s24], $0x1000  }
0x75: {  	[sflag:s24] =	ssyncset.done $0x0  }
0x76: {  	s3 =	simm.s32 @!p1 $0x4;
	[sflag:s24] =	ssyncadd.s32 $0xFFFFF000  }
0x77: {  	_ =	swait.ge @!p1 [sflag:s3], $0x1000  }
0x78: {  	[sflag:s3] =	ssyncset.done @!p1 $0x0  }
0x79: {  	s19 =	simm.s32 $0x1AFB0;
	[sflag:s3] =	ssyncadd.s32 @!p1 $0xFFFFF000  }
0x7a: {  	v1 =	vld [tilespmem:s19+$0x30]  }
0x7b: {  	v2 =	vld [tilespmem:s19+$0xFFFFFFD0]  }
0x7c: {  	v3 =	vld [tilespmem:s19+$0xFFFFFFE0]  }
0x7d: {  	v4 =	vld [tilespmem:s19+$0xFFFFFFF0]  }
0x7e: {  	v6 =	vld [tilespmem:s19+$0x0]  }
0x7f: {  	v7 =	vld [tilespmem:s19+$0x10]  }
0x80: {  	v8 =	vld [tilespmem:s19+$0x20]  }
0x81: {  	s5 =	simm.s32 $0x1CFB0;
	v9 =	vld [tilespmem:s19+$0xFFFFFFC0]  }
0x82: {  	v12 =	vld [tilespmem:s5+$0x30]  }
0x83: {  	v14 =	vld [tilespmem:s5+$0xFFFFFFD0]  }
0x84: {  	v10 =	vld [tilespmem:s5+$0xFFFFFFE0]  }
0x85: {  	v11 =	vld.idx.msk [tilespmem:v1+s16+$0x0], $0xffff  }
0x86: {  	v13 =	vld.idx.msk [tilespmem:v2+s16+$0x0], $0xffff  }
0x87: {  	v5 =	vld.idx.msk [tilespmem:v3+s16+$0x0], $0xffff  }
0x88: {  	v3 =	vld.idx.msk [tilespmem:v6+s16+$0x0], $0xffff  }
0x89: {  	v6 =	vld.idx.msk [tilespmem:v9+s16+$0x0], $0xffff  }
0x8a: {  	v2 =	vld.idx.msk [tilespmem:v8+s16+$0x0], $0xffff  }
0x8b: {  	v8 =	vld [tilespmem:s5+$0xFFFFFFC0]  }
0x8c: {  	v4 =	vld.idx.msk [tilespmem:v4+s16+$0x0], $0xffff  }
0x8d: {  	v1 =	vld.idx.msk [tilespmem:v7+s16+$0x0], $0xffff  }
0x8e: {  	v9 =	vld [tilespmem:s5+$0xFFFFFFF0]  }
0x8f: {  	v7 =	vld [tilespmem:s5+$0x0];
	vm0 =	vgt.f32 v12, v11  }
0x90: {  	s3 =	simm.s32 $0x1EFB0;
	v11 =	vsel vm0, $0x3F800000, v0;
	vm0 =	vgt.f32 v8, v6;
	v6 =	vld [tilespmem:s5+$0x10]  }
0x91: {  	s18 =	simm.s32 $0x0;
	s19 =	simm.s32 $0x1B030;
	v8 =	vld [tilespmem:s5+$0x20];
	[tilespmem:s3+$0x30] =	vst v11;
	v11 =	vsel vm0, $0x3F800000, v0;
	vm0 =	vgt.f32 v14, v13  }
.LBB2_5:
0x92: {  	v12 =	vld [tilespmem:s19+$0x30];
	s18 =	sadd.s32 $0x80, s18;
	[tilespmem:s3+$0xFFFFFFC0] =	vst v11;
	v11 =	vsel vm0, $0x3F800000, v0;
	vm0 =	vgt.f32 v10, v5  }
0x93: {  	v5 =	vld [tilespmem:s19+$0xFFFFFFD0];
	p1 =	slt.u32 s18, $0xF80;
	[tilespmem:s3+$0xFFFFFFD0] =	vst v11;
	v10 =	vsel vm0, $0x3F800000, v0;
	vm0 =	vgt.f32 v9, v4  }
0x94: {  	v4 =	vld [tilespmem:s19+$0xFFFFFFE0];
	[tilespmem:s3+$0xFFFFFFE0] =	vst v10;
	v9 =	vsel vm0, $0x3F800000, v0;
	vm0 =	vgt.f32 v7, v3  }
0x95: {  	v3 =	vld [tilespmem:s19+$0xFFFFFFF0];
	[tilespmem:s3+$0xFFFFFFF0] =	vst v9;
	v7 =	vsel vm0, $0x3F800000, v0;
	vm0 =	vgt.f32 v6, v1  }
0x96: {  	v1 =	vld [tilespmem:s19+$0x0];
	[tilespmem:s3+$0x0] =	vst v7;
	v6 =	vsel vm0, $0x3F800000, v0;
	vm0 =	vgt.f32 v8, v2  }
0x97: {  	v2 =	vld [tilespmem:s19+$0x10];
	[tilespmem:s3+$0x10] =	vst v6;
	v6 =	vsel vm0, $0x3F800000, v0  }
0x98: {  	v7 =	vld [tilespmem:s19+$0x20];
	[tilespmem:s3+$0x20] =	vst v6  }
0x99: {  	v6 =	vld [tilespmem:s19+$0xFFFFFFC0]  }
0x9a: {  	s5 =	sadd.s32 $0x80, s5;
	v8 =	vld.idx.msk [tilespmem:v12+s16+$0x0], $0xffff  }
0x9b: {  	v9 =	vld [tilespmem:s5+$0x30]  }
0x9c: {  	v12 =	vld.idx.msk [tilespmem:v5+s16+$0x0], $0xffff  }
0x9d: {  	v5 =	vld.idx.msk [tilespmem:v4+s16+$0x0], $0xffff  }
0x9e: {  	v4 =	vld.idx.msk [tilespmem:v3+s16+$0x0], $0xffff  }
0x9f: {  	v3 =	vld.idx.msk [tilespmem:v1+s16+$0x0], $0xffff  }
0xa0: {  	v1 =	vld.idx.msk [tilespmem:v2+s16+$0x0], $0xffff;
	vm0 =	vgt.f32 v9, v8  }
0xa1: {  	s3 =	sadd.s32 $0x80, s3;
	v6 =	vld.idx.msk [tilespmem:v6+s16+$0x0], $0xffff;
	v8 =	vsel vm0, $0x3F800000, v0  }
0xa2: {  	v2 =	vld.idx.msk [tilespmem:v7+s16+$0x0], $0xffff;
	[tilespmem:s3+$0x30] =	vst v8  }
0xa3: {  	v8 =	vld [tilespmem:s5+$0xFFFFFFC0]  }
0xa4: {  	v13 =	vld [tilespmem:s5+$0xFFFFFFD0]  }
.Ltmp3:
0xa5: {  	v10 =	vld [tilespmem:s5+$0xFFFFFFE0];
	(pc) =	sbr.rel @p1 .LBB2_5-.Ltmp3, $4  }
0xa6: {  	v9 =	vld [tilespmem:s5+$0xFFFFFFF0]  }
0xa7: {  	v7 =	vld [tilespmem:s5+$0x0]  }
0xa8: {  	vm0 =	vgt.f32 v8, v6;
	v6 =	vld [tilespmem:s5+$0x10]  }
0xa9: {  	s19 =	sadd.s32 $0x80, s19;
	v11 =	vsel vm0, $0x3F800000, v0;
	vm0 =	vgt.f32 v13, v12;
	v8 =	vld [tilespmem:s5+$0x20]  }
0xaa: {  	[tilespmem:s3+$0xFFFFFFC0] =	vst v11;
	v63 =	vsel vm0, $0x3F800000, v0;
	vm11 =	vgt.f32 v10, v5  }
0xab: {  	[tilespmem:s3+$0xFFFFFFD0] =	vst v63;
	v5 =	vsel vm11, $0x3F800000, v0;
	vm12 =	vgt.f32 v9, v4  }
0xac: {  	[tilespmem:s3+$0xFFFFFFE0] =	vst v5;
	v4 =	vsel vm12, $0x3F800000, v0;
	vm13 =	vgt.f32 v7, v3  }
.Ltmp4:
0xad: {  	[tilespmem:s3+$0xFFFFFFF0] =	vst v4;
	v3 =	vsel vm13, $0x3F800000, v0;
	vm14 =	vgt.f32 v6, v1;
	(pc) =	sbr.rel @p2 .LBB2_8-.Ltmp4, $4  }
0xae: {  	[tilespmem:s3+$0x0] =	vst v3;
	v1 =	vsel vm14, $0x3F800000, v0;
	vm15 =	vgt.f32 v8, v2  }
0xaf: {  	s1 =	sadd.s32 s1, s4;
	[tilespmem:s3+$0x10] =	vst v1;
	v1 =	vsel vm15, $0x3F800000, v0  }
0xb0: {  	s1 =	sadd.s32 $0x200, s1;
	[tilespmem:s3+$0x20] =	vst v1  }
0xb1: {  	[hbm4b:s1+s6] =	stream.linear.scatter [tilespmem:s25], [sflag:$0x4], $0x1000, $0x38;
	[tilespmem:$0x1FF70] =	vst v63  }
0xb2: {  	s1 =	sadd.s32 s31, s13  }
.Ltmp5:
0xb3: {  	s1 =	sshrl.u32 s1, $0x3;
	(pc) =	sbr.rel .LBB2_2-.Ltmp5, $4  }
0xb4: {  	s3 =	sadd.s32 s0, s1  }
0xb5: {  	[tilespmem:s20], [sflag:$0x2] =	stream.linear.gather [hbm4b:s3+s6], $0x1000, $0x38;
	[tilespmem:$0x1FF70] =	vst v63  }
0xb6: {  	s30 =	sadd.s32 $0x1, s30;
	s1 =	sadd.s32 s2, s1  }
0xb7: {  	[tilespmem:s21], [sflag:$0x2] =	stream.linear.gather [hbm4b:s1+s6], $0x1000, $0x38;
	[tilespmem:$0x1FF70] =	vst v63  }
.LBB2_9:
0xb8: {  	_ =	sfence.sel $0x180000  }
0xb9: {  	[bflag:$0x0] =	sbarrier.arrive $0xFFFF  }
0xba: {  	_ =	strace $0x90000047  }
0xbb: {  	[bflag:$0x2] =	sbarrier.arrive $0xFFFF  }
0xbc: {  	s0 =	rddreg [dreg:$0x5]  }
0xbd: {  	s0 =	sadd.s32 @!p0 $0x100000, s0  }
0xbe: {  	[sflag:s0] =	ssyncadd.tile.s32 @!p0 $0x1;
	_ =	shalt  }
.Lfunc_end2:
_tile_overlayer_lowered:
.L_overlay_start_2:
0xbf: {  	(tag) =	ssettag $0x2  }
0xc0: {  	s0 =	rddreg [dreg:$0x0];
	s2 =	stileid.u32  }
0xc1: {  	s1 =	rddreg [dreg:$0x1];
	p0 =	sne.s32 s2, $0x0  }
0xc2: {  	s3 =	rddreg [dreg:$0x2];
	[bflag:$0x3] =	sbarrier.arrive $0xFFFF;
	s2 =	simm.s32 @!p0 $0x1C06  }
0xc3: {  	[timem:s3], [sflag:s2] =	dma.local @!p0 [hbm:s0], s1  }
0xc4: {  	s0 =	simm.s32 @!p0 $0x6  }
0xc5: {  	_ =	swait.ge @!p0 [sflag:s0], s1  }
0xc6: {  	s1 =	ssub.s32 @!p0 $0x0, s1;
	[sflag:s0] =	ssyncset.done @!p0 $0x0  }
0xc7: {  	[sflag:s0] =	ssyncadd.s32 @!p0 s1  }
0xc8: {  	[bflag:$0x3] =	sbarrier.arrive $0xFFFF  }
0xc9: {  	_ =	shalt  }

</sc_bundles>
